<compile_context>
chip_gen: v7x
topology: tpu7x:2x2x1
jax: 0.10.2.dev20260603
libtpu: 0.0.44.dev20260713+nightly
codegen_flags: <defaults>
</compile_context>

<pallas_src>
import functools

import jax
import jax.numpy as jnp
from jax import lax
from jax.experimental import pallas as pl
from jax.experimental.pallas import tpu as pltpu
from jax.experimental.pallas import tpu_sc as plsc

B, N, M, D = 8, 65536, 4096, 64
L = 16
PD = 128
NC, NS = 2, 16
NB_SC = B // NC
JT = M // NS
CH = 128
NCH = JT // CH
ZR = 32
CPR = N // NS


def _totals_body(tar_hbm, idx_hbm, tot_hbm,
                 acc, tbl, idx2, tidx2, jv, rep2, tsrc, trep,
                 tstage, g, zbuf):
    sc = lax.axis_index("c")
    s = lax.axis_index("s")
    j0 = pl.multiple_of(s * JT, JT)

    for r in range(ZR):
        for k in range(PD // L):
            zbuf[r, pl.ds(k * L, L)] = jnp.zeros((L,), jnp.float32)

    for bl in range(NB_SC):
        b = sc * NB_SC + bl
        for c in range(NCH):
            pltpu.sync_copy(idx_hbm.at[b, pl.ds(j0 + c * CH, CH)],
                            idx2.at[c])
        for c in range(NCH):
            for k in range(CH // L):
                sl = pl.ds(k * L, L)
                tidx2[c, sl] = idx2[c, sl] + sc * N
                jv[c, sl] = lax.iota(jnp.int32, L) + (j0 + c * CH + k * L)
        for c in range(NCH):
            for k in range(CH // L):
                sl = pl.ds(k * L, L)
                plsc.store_scatter(
                    tsrc,
                    [lax.iota(jnp.int32, L) + k * L,
                     jnp.zeros((L,), jnp.int32)],
                    jv[c, sl])
            pltpu.sync_copy(tsrc, tbl.at[tidx2.at[c]])
        for c in range(JT // ZR):
            pltpu.sync_copy(zbuf, acc.at[pl.ds(j0 + c * ZR, ZR)])
        plsc.subcore_barrier()
        for c in range(NCH):
            pltpu.sync_copy(tbl.at[tidx2.at[c]], trep)
            for k in range(CH // L):
                sl = pl.ds(k * L, L)
                rep2[c, sl] = plsc.load_gather(
                    trep,
                    [lax.iota(jnp.int32, L) + k * L,
                     jnp.zeros((L,), jnp.int32)])
        for c in range(NCH):
            pltpu.sync_copy(tar_hbm.at[b, pl.ds(j0 + c * CH, CH)], tstage)
            pltpu.sync_copy(tstage, acc.at[rep2.at[c]], add=True)
        plsc.subcore_barrier()
        for c in range(NCH):
            pltpu.sync_copy(acc.at[rep2.at[c]], g)
            pltpu.sync_copy(g, tot_hbm.at[b, pl.ds(j0 + c * CH, CH)])
        plsc.subcore_barrier()


def _place_body(src_hbm, tot_hbm, idx_hbm, out_hbm, idx_v, *csems):
    sc = lax.axis_index("c")
    s = lax.axis_index("s")
    j0 = pl.multiple_of(s * JT, JT)
    psem = csems[NB_SC]

    copies = []
    for bl in range(NB_SC):
        b = sc * NB_SC + bl
        r0 = pl.multiple_of(s * CPR, CPR)
        cp = pltpu.make_async_copy(src_hbm.at[b, pl.ds(r0, CPR)],
                                   out_hbm.at[b, pl.ds(r0, CPR)], csems[bl])
        cp.start()
        copies.append(cp)

    for bl in range(NB_SC):
        b = sc * NB_SC + bl
        pltpu.sync_copy(idx_hbm.at[b, pl.ds(j0, JT)], idx_v)
        copies[bl].wait()
        plsc.subcore_barrier()

        def fire(grp, _):
            g0 = pl.multiple_of(grp * L, L)
            v = idx_v[pl.ds(g0, L)]
            for k in range(L):
                pltpu.make_async_copy(tot_hbm.at[b, j0 + g0 + k],
                                      out_hbm.at[b, v[k]], psem).start()
            return 0

        def drain(grp, _):
            g0 = pl.multiple_of(grp * L, L)
            v = idx_v[pl.ds(g0, L)]
            for k in range(L):
                pltpu.make_async_copy(tot_hbm.at[b, j0 + g0 + k],
                                      out_hbm.at[b, v[k]], psem).wait()
            return 0

        if False:
            lax.fori_loop(0, JT // L, fire, 0)
            lax.fori_loop(0, JT // L, drain, 0)


@jax.jit
def _eag(src, tar, idx):
    mesh = plsc.VectorSubcoreMesh(core_axis_name="c", subcore_axis_name="s",
                                  num_cores=NC, num_subcores=NS)
    tar_p = jnp.pad(tar, ((0, 0), (0, 0), (0, PD - D)))
    totals_kernel = functools.partial(
        pl.kernel,
        out_type=jax.ShapeDtypeStruct((B, M, PD), jnp.float32),
        compiler_params=pltpu.CompilerParams(needs_layout_passes=False),
        mesh=mesh,
        scratch_types=[
            pltpu.VMEM_SHARED((M, PD), jnp.float32),
            pltpu.HBM((NC * N, PD), jnp.int32),
            pltpu.VMEM((NCH, CH), jnp.int32),
            pltpu.VMEM((NCH, CH), jnp.int32),
            pltpu.VMEM((NCH, CH), jnp.int32),
            pltpu.VMEM((NCH, CH), jnp.int32),
            pltpu.VMEM((CH, PD), jnp.int32),
            pltpu.VMEM((CH, PD), jnp.int32),
            pltpu.VMEM((CH, PD), jnp.float32),
            pltpu.VMEM((CH, PD), jnp.float32),
            pltpu.VMEM((ZR, PD), jnp.float32),
        ],
    )(_totals_body)
    totals = tar


    place_kernel = functools.partial(
        pl.kernel,
        out_type=jax.ShapeDtypeStruct((B, N, D), jnp.float32),
        mesh=mesh,
        scratch_types=[
            pltpu.VMEM((JT,), jnp.int32),
        ] + [pltpu.SemaphoreType.DMA] * (NB_SC + 1),
    )(_place_body)
    return place_kernel(src, totals, idx)


def kernel(src, tar, indices):
    return _eag(src, tar, indices)

# --- scband reference (transcript-rebuilt; emitter-appended) ---
"""Pipeline reference for scband-eag-59236188946465 (READ-ONLY COPY).

The authoritative reference and input builder live on the scoring server;
editing this copy changes nothing except your own understanding.
"""

import jax, jax.numpy as jnp
import numpy as np

B, N, M, D = 8, 65536, 4096, 64

def setup_inputs(seed: int = 0):
    key = jax.random.key(seed)
    k1, k2, k3 = jax.random.split(key, 3)
    src = jax.random.normal(k1, (B, N, D), dtype=jnp.float32)
    tar = jax.random.normal(k2, (B, M, D), dtype=jnp.float32)
    indices = jax.random.randint(k3, (B, M), 0, N, dtype=jnp.int32)
    return {"src": src, "tar": tar, "indices": indices}

def reference(src, tar, indices):
    # Erase-Add Gate (DKVMN): per batch, zero out (erase) rows listed in indices,
    # then scatter-add the target features into those rows.
    def per_batch(s, t, idx):
        # indices2mask: mask rows at idx are ones, else zeros
        mask = jnp.zeros(s.shape, dtype=s.dtype).at[idx].set(1.0)
        erase = (1.0 - mask) * s
        # torch.index_add(erase, 0, idx, t)
        return erase.at[idx].add(t)
    return jax.vmap(per_batch)(src, tar, indices)

if __name__ == "__main__":
    import jax
    _d = setup_inputs()
    print(jax.jit(kernel)(*tuple(_d.values())))

</pallas_src>

<mosaic_0001>
#map = affine_map<(d0, d1) -> (0, 0, 0)>
#map1 = affine_map<(d0, d1) -> (0, 0)>
module attributes {stable_mosaic.version = 14 : i64} {
  func.func @_place_body(%arg0: i32, %arg1: i32, %arg2: memref<8x65536x64xf32, #tpu.memory_space<hbm>>, %arg3: memref<8x4096x64xf32, #tpu.memory_space<hbm>>, %arg4: memref<8x4096xi32, #tpu.memory_space<hbm>>, %arg5: memref<8x65536x64xf32, #tpu.memory_space<hbm>>, %arg6: memref<256xi32, #tpu.memory_space<vmem>>, %arg7: memref<!tpu.dma_semaphore, #tpu.memory_space<semaphore_mem>>, %arg8: memref<!tpu.dma_semaphore, #tpu.memory_space<semaphore_mem>>, %arg9: memref<!tpu.dma_semaphore, #tpu.memory_space<semaphore_mem>>, %arg10: memref<!tpu.dma_semaphore, #tpu.memory_space<semaphore_mem>>, %arg11: memref<!tpu.dma_semaphore, #tpu.memory_space<semaphore_mem>>) attributes {dimension_semantics = [#tpu.dimension_semantics<core_parallel>, #tpu.dimension_semantics<subcore_parallel>], iteration_bounds = array<i64: 2, 16>, scalar_prefetch = 0 : i64, scratch_operands = 6 : i64, tpu.core_type = #tpu.core_type<sc_vector_subcore>, window_params = [{transform_indices = #map}, {transform_indices = #map}, {transform_indices = #map1}, {transform_indices = #map}]} {
    %mul3A = arith.constant 256 : i32
    %mul3A_0 = arith.muli %arg1, %mul3A : i32
    %multiple_of3A = tpu.assume_multiple %mul3A_0, 256 : i32
    %mul3A_1 = arith.constant 4 : i32
    %mul3A_2 = arith.muli %arg0, %mul3A_1 : i32
    %add3A = arith.constant 0 : i32
    %add3A_3 = arith.addi %mul3A_2, %add3A : i32
    %mul3A_4 = arith.constant 4096 : i32
    %mul3A_5 = arith.muli %arg1, %mul3A_4 : i32
    %multiple_of3A_6 = tpu.assume_multiple %mul3A_5, 4096 : i32
    %dma_start3A = arith.constant 0 : i32
    %dma_start3A_7 = tpu.memref_slice %arg5[%add3A_3, %multiple_of3A_6, %dma_start3A] : memref<8x65536x64xf32, #tpu.memory_space<hbm>> -> memref<1x4096x64xf32, #tpu.memory_space<hbm>>
    %dma_start3A_8 = tpu.memref_squeeze %dma_start3A_7 : memref<1x4096x64xf32, #tpu.memory_space<hbm>> -> memref<4096x64xf32, #tpu.memory_space<hbm>>
    %dma_start3A_9 = arith.constant 0 : i32
    %dma_start3A_10 = tpu.memref_slice %arg2[%add3A_3, %multiple_of3A_6, %dma_start3A_9] : memref<8x65536x64xf32, #tpu.memory_space<hbm>> -> memref<1x4096x64xf32, #tpu.memory_space<hbm>>
    %dma_start3A_11 = tpu.memref_squeeze %dma_start3A_10 : memref<1x4096x64xf32, #tpu.memory_space<hbm>> -> memref<4096x64xf32, #tpu.memory_space<hbm>>
    tpu.enqueue_dma source(%dma_start3A_11 : memref<4096x64xf32, #tpu.memory_space<hbm>>) target(%dma_start3A_8 : memref<4096x64xf32, #tpu.memory_space<hbm>>) target_semaphore(%arg7 : memref<!tpu.dma_semaphore, #tpu.memory_space<semaphore_mem>>)
    %mul3A_12 = arith.constant 4 : i32
    %mul3A_13 = arith.muli %arg0, %mul3A_12 : i32
    %add3A_14 = arith.constant 1 : i32
    %add3A_15 = arith.addi %mul3A_13, %add3A_14 : i32
    %mul3A_16 = arith.constant 4096 : i32
    %mul3A_17 = arith.muli %arg1, %mul3A_16 : i32
    %multiple_of3A_18 = tpu.assume_multiple %mul3A_17, 4096 : i32
    %dma_start3A_19 = arith.constant 0 : i32
    %dma_start3A_20 = tpu.memref_slice %arg5[%add3A_15, %multiple_of3A_18, %dma_start3A_19] : memref<8x65536x64xf32, #tpu.memory_space<hbm>> -> memref<1x4096x64xf32, #tpu.memory_space<hbm>>
    %dma_start3A_21 = tpu.memref_squeeze %dma_start3A_20 : memref<1x4096x64xf32, #tpu.memory_space<hbm>> -> memref<4096x64xf32, #tpu.memory_space<hbm>>
    %dma_start3A_22 = arith.constant 0 : i32
    %dma_start3A_23 = tpu.memref_slice %arg2[%add3A_15, %multiple_of3A_18, %dma_start3A_22] : memref<8x65536x64xf32, #tpu.memory_space<hbm>> -> memref<1x4096x64xf32, #tpu.memory_space<hbm>>
    %dma_start3A_24 = tpu.memref_squeeze %dma_start3A_23 : memref<1x4096x64xf32, #tpu.memory_space<hbm>> -> memref<4096x64xf32, #tpu.memory_space<hbm>>
    tpu.enqueue_dma source(%dma_start3A_24 : memref<4096x64xf32, #tpu.memory_space<hbm>>) target(%dma_start3A_21 : memref<4096x64xf32, #tpu.memory_space<hbm>>) target_semaphore(%arg8 : memref<!tpu.dma_semaphore, #tpu.memory_space<semaphore_mem>>)
    %mul3A_25 = arith.constant 4 : i32
    %mul3A_26 = arith.muli %arg0, %mul3A_25 : i32
    %add3A_27 = arith.constant 2 : i32
    %add3A_28 = arith.addi %mul3A_26, %add3A_27 : i32
    %mul3A_29 = arith.constant 4096 : i32
    %mul3A_30 = arith.muli %arg1, %mul3A_29 : i32
    %multiple_of3A_31 = tpu.assume_multiple %mul3A_30, 4096 : i32
    %dma_start3A_32 = arith.constant 0 : i32
    %dma_start3A_33 = tpu.memref_slice %arg5[%add3A_28, %multiple_of3A_31, %dma_start3A_32] : memref<8x65536x64xf32, #tpu.memory_space<hbm>> -> memref<1x4096x64xf32, #tpu.memory_space<hbm>>
    %dma_start3A_34 = tpu.memref_squeeze %dma_start3A_33 : memref<1x4096x64xf32, #tpu.memory_space<hbm>> -> memref<4096x64xf32, #tpu.memory_space<hbm>>
    %dma_start3A_35 = arith.constant 0 : i32
    %dma_start3A_36 = tpu.memref_slice %arg2[%add3A_28, %multiple_of3A_31, %dma_start3A_35] : memref<8x65536x64xf32, #tpu.memory_space<hbm>> -> memref<1x4096x64xf32, #tpu.memory_space<hbm>>
    %dma_start3A_37 = tpu.memref_squeeze %dma_start3A_36 : memref<1x4096x64xf32, #tpu.memory_space<hbm>> -> memref<4096x64xf32, #tpu.memory_space<hbm>>
    tpu.enqueue_dma source(%dma_start3A_37 : memref<4096x64xf32, #tpu.memory_space<hbm>>) target(%dma_start3A_34 : memref<4096x64xf32, #tpu.memory_space<hbm>>) target_semaphore(%arg9 : memref<!tpu.dma_semaphore, #tpu.memory_space<semaphore_mem>>)
    %mul3A_38 = arith.constant 4 : i32
    %mul3A_39 = arith.muli %arg0, %mul3A_38 : i32
    %add3A_40 = arith.constant 3 : i32
    %add3A_41 = arith.addi %mul3A_39, %add3A_40 : i32
    %mul3A_42 = arith.constant 4096 : i32
    %mul3A_43 = arith.muli %arg1, %mul3A_42 : i32
    %multiple_of3A_44 = tpu.assume_multiple %mul3A_43, 4096 : i32
    %dma_start3A_45 = arith.constant 0 : i32
    %dma_start3A_46 = tpu.memref_slice %arg5[%add3A_41, %multiple_of3A_44, %dma_start3A_45] : memref<8x65536x64xf32, #tpu.memory_space<hbm>> -> memref<1x4096x64xf32, #tpu.memory_space<hbm>>
    %dma_start3A_47 = tpu.memref_squeeze %dma_start3A_46 : memref<1x4096x64xf32, #tpu.memory_space<hbm>> -> memref<4096x64xf32, #tpu.memory_space<hbm>>
    %dma_start3A_48 = arith.constant 0 : i32
    %dma_start3A_49 = tpu.memref_slice %arg2[%add3A_41, %multiple_of3A_44, %dma_start3A_48] : memref<8x65536x64xf32, #tpu.memory_space<hbm>> -> memref<1x4096x64xf32, #tpu.memory_space<hbm>>
    %dma_start3A_50 = tpu.memref_squeeze %dma_start3A_49 : memref<1x4096x64xf32, #tpu.memory_space<hbm>> -> memref<4096x64xf32, #tpu.memory_space<hbm>>
    tpu.enqueue_dma source(%dma_start3A_50 : memref<4096x64xf32, #tpu.memory_space<hbm>>) target(%dma_start3A_47 : memref<4096x64xf32, #tpu.memory_space<hbm>>) target_semaphore(%arg10 : memref<!tpu.dma_semaphore, #tpu.memory_space<semaphore_mem>>)
    %mul3A_51 = arith.constant 4 : i32
    %mul3A_52 = arith.muli %arg0, %mul3A_51 : i32
    %add3A_53 = arith.constant 0 : i32
    %add3A_54 = arith.addi %mul3A_52, %add3A_53 : i32
    "tpu.region"() ({
      %run_scoped3A = tpu.sem_alloc : memref<!tpu.dma_semaphore, #tpu.memory_space<semaphore_mem>>
      %dma_start3A_93 = tpu.memref_slice %arg4[%add3A_54, %multiple_of3A] : memref<8x4096xi32, #tpu.memory_space<hbm>> -> memref<1x256xi32, #tpu.memory_space<hbm>>
      %dma_start3A_94 = tpu.memref_squeeze %dma_start3A_93 : memref<1x256xi32, #tpu.memory_space<hbm>> -> memref<256xi32, #tpu.memory_space<hbm>>
      %dma_start3A_95 = tpu.memref_slice %arg4[%add3A_54, %multiple_of3A] : memref<8x4096xi32, #tpu.memory_space<hbm>> -> memref<1x256xi32, #tpu.memory_space<hbm>>
      %dma_start3A_96 = tpu.memref_squeeze %dma_start3A_95 : memref<1x256xi32, #tpu.memory_space<hbm>> -> memref<256xi32, #tpu.memory_space<hbm>>
      tpu.enqueue_dma source(%dma_start3A_96 : memref<256xi32, #tpu.memory_space<hbm>>) target(%arg6 : memref<256xi32, #tpu.memory_space<vmem>>) target_semaphore(%run_scoped3A : memref<!tpu.dma_semaphore, #tpu.memory_space<semaphore_mem>>)
      %dma_wait3A_97 = tpu.memref_slice %arg4[%add3A_54, %multiple_of3A] : memref<8x4096xi32, #tpu.memory_space<hbm>> -> memref<1x256xi32, #tpu.memory_space<hbm>>
      %dma_wait3A_98 = tpu.memref_squeeze %dma_wait3A_97 : memref<1x256xi32, #tpu.memory_space<hbm>> -> memref<256xi32, #tpu.memory_space<hbm>>
      %dma_wait3A_99 = tpu.memref_slice %arg4[%add3A_54, %multiple_of3A] : memref<8x4096xi32, #tpu.memory_space<hbm>> -> memref<1x256xi32, #tpu.memory_space<hbm>>
      %dma_wait3A_100 = tpu.memref_squeeze %dma_wait3A_99 : memref<1x256xi32, #tpu.memory_space<hbm>> -> memref<256xi32, #tpu.memory_space<hbm>>
      tpu.wait_dma2 semaphore(%run_scoped3A : memref<!tpu.dma_semaphore, #tpu.memory_space<semaphore_mem>>) src(%dma_wait3A_100 : memref<256xi32, #tpu.memory_space<hbm>>) dst(%arg6 : memref<256xi32, #tpu.memory_space<vmem>>)
      tpu.yield
    }) : () -> ()
    %dma_wait3A = arith.constant 0 : i32
    %dma_wait3A_55 = tpu.memref_slice %arg5[%add3A_3, %multiple_of3A_6, %dma_wait3A] : memref<8x65536x64xf32, #tpu.memory_space<hbm>> -> memref<1x4096x64xf32, #tpu.memory_space<hbm>>
    %dma_wait3A_56 = tpu.memref_squeeze %dma_wait3A_55 : memref<1x4096x64xf32, #tpu.memory_space<hbm>> -> memref<4096x64xf32, #tpu.memory_space<hbm>>
    %dma_wait3A_57 = arith.constant 0 : i32
    %dma_wait3A_58 = tpu.memref_slice %arg2[%add3A_3, %multiple_of3A_6, %dma_wait3A_57] : memref<8x65536x64xf32, #tpu.memory_space<hbm>> -> memref<1x4096x64xf32, #tpu.memory_space<hbm>>
    %dma_wait3A_59 = tpu.memref_squeeze %dma_wait3A_58 : memref<1x4096x64xf32, #tpu.memory_space<hbm>> -> memref<4096x64xf32, #tpu.memory_space<hbm>>
    tpu.wait_dma2 semaphore(%arg7 : memref<!tpu.dma_semaphore, #tpu.memory_space<semaphore_mem>>) src(%dma_wait3A_59 : memref<4096x64xf32, #tpu.memory_space<hbm>>) dst(%dma_wait3A_56 : memref<4096x64xf32, #tpu.memory_space<hbm>>)
    %barrier3A = arith.constant 0 : index
    tpu.barrier barrier_id(%barrier3A)
    %mul3A_60 = arith.constant 4 : i32
    %mul3A_61 = arith.muli %arg0, %mul3A_60 : i32
    %add3A_62 = arith.constant 1 : i32
    %add3A_63 = arith.addi %mul3A_61, %add3A_62 : i32
    "tpu.region"() ({
      %run_scoped3A = tpu.sem_alloc : memref<!tpu.dma_semaphore, #tpu.memory_space<semaphore_mem>>
      %dma_start3A_93 = tpu.memref_slice %arg4[%add3A_63, %multiple_of3A] : memref<8x4096xi32, #tpu.memory_space<hbm>> -> memref<1x256xi32, #tpu.memory_space<hbm>>
      %dma_start3A_94 = tpu.memref_squeeze %dma_start3A_93 : memref<1x256xi32, #tpu.memory_space<hbm>> -> memref<256xi32, #tpu.memory_space<hbm>>
      %dma_start3A_95 = tpu.memref_slice %arg4[%add3A_63, %multiple_of3A] : memref<8x4096xi32, #tpu.memory_space<hbm>> -> memref<1x256xi32, #tpu.memory_space<hbm>>
      %dma_start3A_96 = tpu.memref_squeeze %dma_start3A_95 : memref<1x256xi32, #tpu.memory_space<hbm>> -> memref<256xi32, #tpu.memory_space<hbm>>
      tpu.enqueue_dma source(%dma_start3A_96 : memref<256xi32, #tpu.memory_space<hbm>>) target(%arg6 : memref<256xi32, #tpu.memory_space<vmem>>) target_semaphore(%run_scoped3A : memref<!tpu.dma_semaphore, #tpu.memory_space<semaphore_mem>>)
      %dma_wait3A_97 = tpu.memref_slice %arg4[%add3A_63, %multiple_of3A] : memref<8x4096xi32, #tpu.memory_space<hbm>> -> memref<1x256xi32, #tpu.memory_space<hbm>>
      %dma_wait3A_98 = tpu.memref_squeeze %dma_wait3A_97 : memref<1x256xi32, #tpu.memory_space<hbm>> -> memref<256xi32, #tpu.memory_space<hbm>>
      %dma_wait3A_99 = tpu.memref_slice %arg4[%add3A_63, %multiple_of3A] : memref<8x4096xi32, #tpu.memory_space<hbm>> -> memref<1x256xi32, #tpu.memory_space<hbm>>
      %dma_wait3A_100 = tpu.memref_squeeze %dma_wait3A_99 : memref<1x256xi32, #tpu.memory_space<hbm>> -> memref<256xi32, #tpu.memory_space<hbm>>
      tpu.wait_dma2 semaphore(%run_scoped3A : memref<!tpu.dma_semaphore, #tpu.memory_space<semaphore_mem>>) src(%dma_wait3A_100 : memref<256xi32, #tpu.memory_space<hbm>>) dst(%arg6 : memref<256xi32, #tpu.memory_space<vmem>>)
      tpu.yield
    }) : () -> ()
    %dma_wait3A_64 = arith.constant 0 : i32
    %dma_wait3A_65 = tpu.memref_slice %arg5[%add3A_15, %multiple_of3A_18, %dma_wait3A_64] : memref<8x65536x64xf32, #tpu.memory_space<hbm>> -> memref<1x4096x64xf32, #tpu.memory_space<hbm>>
    %dma_wait3A_66 = tpu.memref_squeeze %dma_wait3A_65 : memref<1x4096x64xf32, #tpu.memory_space<hbm>> -> memref<4096x64xf32, #tpu.memory_space<hbm>>
    %dma_wait3A_67 = arith.constant 0 : i32
    %dma_wait3A_68 = tpu.memref_slice %arg2[%add3A_15, %multiple_of3A_18, %dma_wait3A_67] : memref<8x65536x64xf32, #tpu.memory_space<hbm>> -> memref<1x4096x64xf32, #tpu.memory_space<hbm>>
    %dma_wait3A_69 = tpu.memref_squeeze %dma_wait3A_68 : memref<1x4096x64xf32, #tpu.memory_space<hbm>> -> memref<4096x64xf32, #tpu.memory_space<hbm>>
    tpu.wait_dma2 semaphore(%arg8 : memref<!tpu.dma_semaphore, #tpu.memory_space<semaphore_mem>>) src(%dma_wait3A_69 : memref<4096x64xf32, #tpu.memory_space<hbm>>) dst(%dma_wait3A_66 : memref<4096x64xf32, #tpu.memory_space<hbm>>)
    %barrier3A_70 = arith.constant 0 : index
    tpu.barrier barrier_id(%barrier3A_70)
    %mul3A_71 = arith.constant 4 : i32
    %mul3A_72 = arith.muli %arg0, %mul3A_71 : i32
    %add3A_73 = arith.constant 2 : i32
    %add3A_74 = arith.addi %mul3A_72, %add3A_73 : i32
    "tpu.region"() ({
      %run_scoped3A = tpu.sem_alloc : memref<!tpu.dma_semaphore, #tpu.memory_space<semaphore_mem>>
      %dma_start3A_93 = tpu.memref_slice %arg4[%add3A_74, %multiple_of3A] : memref<8x4096xi32, #tpu.memory_space<hbm>> -> memref<1x256xi32, #tpu.memory_space<hbm>>
      %dma_start3A_94 = tpu.memref_squeeze %dma_start3A_93 : memref<1x256xi32, #tpu.memory_space<hbm>> -> memref<256xi32, #tpu.memory_space<hbm>>
      %dma_start3A_95 = tpu.memref_slice %arg4[%add3A_74, %multiple_of3A] : memref<8x4096xi32, #tpu.memory_space<hbm>> -> memref<1x256xi32, #tpu.memory_space<hbm>>
      %dma_start3A_96 = tpu.memref_squeeze %dma_start3A_95 : memref<1x256xi32, #tpu.memory_space<hbm>> -> memref<256xi32, #tpu.memory_space<hbm>>
      tpu.enqueue_dma source(%dma_start3A_96 : memref<256xi32, #tpu.memory_space<hbm>>) target(%arg6 : memref<256xi32, #tpu.memory_space<vmem>>) target_semaphore(%run_scoped3A : memref<!tpu.dma_semaphore, #tpu.memory_space<semaphore_mem>>)
      %dma_wait3A_97 = tpu.memref_slice %arg4[%add3A_74, %multiple_of3A] : memref<8x4096xi32, #tpu.memory_space<hbm>> -> memref<1x256xi32, #tpu.memory_space<hbm>>
      %dma_wait3A_98 = tpu.memref_squeeze %dma_wait3A_97 : memref<1x256xi32, #tpu.memory_space<hbm>> -> memref<256xi32, #tpu.memory_space<hbm>>
      %dma_wait3A_99 = tpu.memref_slice %arg4[%add3A_74, %multiple_of3A] : memref<8x4096xi32, #tpu.memory_space<hbm>> -> memref<1x256xi32, #tpu.memory_space<hbm>>
      %dma_wait3A_100 = tpu.memref_squeeze %dma_wait3A_99 : memref<1x256xi32, #tpu.memory_space<hbm>> -> memref<256xi32, #tpu.memory_space<hbm>>
      tpu.wait_dma2 semaphore(%run_scoped3A : memref<!tpu.dma_semaphore, #tpu.memory_space<semaphore_mem>>) src(%dma_wait3A_100 : memref<256xi32, #tpu.memory_space<hbm>>) dst(%arg6 : memref<256xi32, #tpu.memory_space<vmem>>)
      tpu.yield
    }) : () -> ()
    %dma_wait3A_75 = arith.constant 0 : i32
    %dma_wait3A_76 = tpu.memref_slice %arg5[%add3A_28, %multiple_of3A_31, %dma_wait3A_75] : memref<8x65536x64xf32, #tpu.memory_space<hbm>> -> memref<1x4096x64xf32, #tpu.memory_space<hbm>>
    %dma_wait3A_77 = tpu.memref_squeeze %dma_wait3A_76 : memref<1x4096x64xf32, #tpu.memory_space<hbm>> -> memref<4096x64xf32, #tpu.memory_space<hbm>>
    %dma_wait3A_78 = arith.constant 0 : i32
    %dma_wait3A_79 = tpu.memref_slice %arg2[%add3A_28, %multiple_of3A_31, %dma_wait3A_78] : memref<8x65536x64xf32, #tpu.memory_space<hbm>> -> memref<1x4096x64xf32, #tpu.memory_space<hbm>>
    %dma_wait3A_80 = tpu.memref_squeeze %dma_wait3A_79 : memref<1x4096x64xf32, #tpu.memory_space<hbm>> -> memref<4096x64xf32, #tpu.memory_space<hbm>>
    tpu.wait_dma2 semaphore(%arg9 : memref<!tpu.dma_semaphore, #tpu.memory_space<semaphore_mem>>) src(%dma_wait3A_80 : memref<4096x64xf32, #tpu.memory_space<hbm>>) dst(%dma_wait3A_77 : memref<4096x64xf32, #tpu.memory_space<hbm>>)
    %barrier3A_81 = arith.constant 0 : index
    tpu.barrier barrier_id(%barrier3A_81)
    %mul3A_82 = arith.constant 4 : i32
    %mul3A_83 = arith.muli %arg0, %mul3A_82 : i32
    %add3A_84 = arith.constant 3 : i32
    %add3A_85 = arith.addi %mul3A_83, %add3A_84 : i32
    "tpu.region"() ({
      %run_scoped3A = tpu.sem_alloc : memref<!tpu.dma_semaphore, #tpu.memory_space<semaphore_mem>>
      %dma_start3A_93 = tpu.memref_slice %arg4[%add3A_85, %multiple_of3A] : memref<8x4096xi32, #tpu.memory_space<hbm>> -> memref<1x256xi32, #tpu.memory_space<hbm>>
      %dma_start3A_94 = tpu.memref_squeeze %dma_start3A_93 : memref<1x256xi32, #tpu.memory_space<hbm>> -> memref<256xi32, #tpu.memory_space<hbm>>
      %dma_start3A_95 = tpu.memref_slice %arg4[%add3A_85, %multiple_of3A] : memref<8x4096xi32, #tpu.memory_space<hbm>> -> memref<1x256xi32, #tpu.memory_space<hbm>>
      %dma_start3A_96 = tpu.memref_squeeze %dma_start3A_95 : memref<1x256xi32, #tpu.memory_space<hbm>> -> memref<256xi32, #tpu.memory_space<hbm>>
      tpu.enqueue_dma source(%dma_start3A_96 : memref<256xi32, #tpu.memory_space<hbm>>) target(%arg6 : memref<256xi32, #tpu.memory_space<vmem>>) target_semaphore(%run_scoped3A : memref<!tpu.dma_semaphore, #tpu.memory_space<semaphore_mem>>)
      %dma_wait3A_97 = tpu.memref_slice %arg4[%add3A_85, %multiple_of3A] : memref<8x4096xi32, #tpu.memory_space<hbm>> -> memref<1x256xi32, #tpu.memory_space<hbm>>
      %dma_wait3A_98 = tpu.memref_squeeze %dma_wait3A_97 : memref<1x256xi32, #tpu.memory_space<hbm>> -> memref<256xi32, #tpu.memory_space<hbm>>
      %dma_wait3A_99 = tpu.memref_slice %arg4[%add3A_85, %multiple_of3A] : memref<8x4096xi32, #tpu.memory_space<hbm>> -> memref<1x256xi32, #tpu.memory_space<hbm>>
      %dma_wait3A_100 = tpu.memref_squeeze %dma_wait3A_99 : memref<1x256xi32, #tpu.memory_space<hbm>> -> memref<256xi32, #tpu.memory_space<hbm>>
      tpu.wait_dma2 semaphore(%run_scoped3A : memref<!tpu.dma_semaphore, #tpu.memory_space<semaphore_mem>>) src(%dma_wait3A_100 : memref<256xi32, #tpu.memory_space<hbm>>) dst(%arg6 : memref<256xi32, #tpu.memory_space<vmem>>)
      tpu.yield
    }) : () -> ()
    %dma_wait3A_86 = arith.constant 0 : i32
    %dma_wait3A_87 = tpu.memref_slice %arg5[%add3A_41, %multiple_of3A_44, %dma_wait3A_86] : memref<8x65536x64xf32, #tpu.memory_space<hbm>> -> memref<1x4096x64xf32, #tpu.memory_space<hbm>>
    %dma_wait3A_88 = tpu.memref_squeeze %dma_wait3A_87 : memref<1x4096x64xf32, #tpu.memory_space<hbm>> -> memref<4096x64xf32, #tpu.memory_space<hbm>>
    %dma_wait3A_89 = arith.constant 0 : i32
    %dma_wait3A_90 = tpu.memref_slice %arg2[%add3A_41, %multiple_of3A_44, %dma_wait3A_89] : memref<8x65536x64xf32, #tpu.memory_space<hbm>> -> memref<1x4096x64xf32, #tpu.memory_space<hbm>>
    %dma_wait3A_91 = tpu.memref_squeeze %dma_wait3A_90 : memref<1x4096x64xf32, #tpu.memory_space<hbm>> -> memref<4096x64xf32, #tpu.memory_space<hbm>>
    tpu.wait_dma2 semaphore(%arg10 : memref<!tpu.dma_semaphore, #tpu.memory_space<semaphore_mem>>) src(%dma_wait3A_91 : memref<4096x64xf32, #tpu.memory_space<hbm>>) dst(%dma_wait3A_88 : memref<4096x64xf32, #tpu.memory_space<hbm>>)
    %barrier3A_92 = arith.constant 0 : index
    tpu.barrier barrier_id(%barrier3A_92)
    return
  }
}

</mosaic_0001>

<sc_bundles>
// kernel: _eag.3.cloned.1.call-start
scs
__scs_entry_jumppad:
0x0: {  	(pc) =	sbr.rel $0x88, $3  }
0x1: {  	(tag) =	ssettag $0x0;
	lr =	simm.s32 $0x1  }
0x2: {  	[smem:$0x3F9E] =	sst lr;
	_ =	strace $0xD0000000  }
0x3: {  	_ = 	snop  }
0x4: {  	_ = 	snop  }
0x5: {  	_ = 	snop  }
0x6: {  	_ = 	snop  }
0x7: {  	_ = 	snop  }
__scs_overlays_trampoline_lowered:
0x8: {  	[smem:$0x3FAD] =	sst s0  }
0x9: {  	[smem:$0x3FAE] =	sst s1  }
0xa: {  	[smem:$0x3FAF] =	sst s2  }
0xb: {  	[smem:$0x3FB0] =	sst s3  }
0xc: {  	[smem:$0x3FB1] =	sst s4  }
0xd: {  	[smem:$0x3FB2] =	sst s5  }
0xe: {  	[smem:$0x3FB3] =	sst s6  }
0xf: {  	[smem:$0x3FB4] =	sst s7  }
0x10: {  	[smem:$0x3FB5] =	sst s8  }
0x11: {  	[smem:$0x3FB6] =	sst s9;
	s0 =	simm.s32 @!p0 $0x0  }
0x12: {  	s1 =	sld [smem:$0x3F9C];
	s0 =	simm.s32 @p0 $0x1  }
0x13: {  	[smem:$0x3FB7] =	sst s0;
	s0 =	simm.s32 @!p1 $0x0  }
0x14: {  	s2 =	sld [smem:$0x3F9B];
	s0 =	simm.s32 @p1 $0x1  }
0x15: {  	[smem:$0x3FB8] =	sst s0;
	s0 =	simm.s32 @!p2 $0x0  }
0x16: {  	s3 =	sld [smem:$0x3FDB];
	s0 =	simm.s32 @p2 $0x1  }
0x17: {  	s4 =	simm.s32 $0x1BF5;
	[smem:$0x3FBA] =	sst s0  }
0x18: {  	s0 =	sld [smem:$0x3F9D];
	_ =	swait.ge [sflag:s4], $0x0  }
0x19: {  	s7 =	sld [smem:$0x3F9E]  }
0x1a: {  	s8 =	sadd.s32 $0xFFFFE003, lr  }
0x1b: {  	s9 =	sadd.s32 $0xFFFFFEF7, lr;
	s5 =	simm.s32 $0xFFFFFFFF;
	p2 =	slt.u32 s8, $0xFFFFF086  }
0x1c: {  	p1 =	slt.u32 s9, $0xF7A;
	s5 =	simm.s32 @!p2 $0x0  }
0x1d: {  	s5 =	simm.s32 @p1 $0x1;
	p0 =	seq.s32 s7, s2  }
0x1e: {  	s7 =	smul.u32 @!p0 $0xF7A, s2;
	p2 =	seq.s32 @!p0 s5, $0x0  }
0x1f: {  	s9 =	smul.u32 $0xF7A, s1;
	s8 =	simm.s32 @!p0 $0x1BF5;
	p2 =	por !p2, p0  }
0x20: {  	[sflag:s8] =	ssyncset.s32 @!p0 $0xFFFFF086;
	s6 =	sadd.s32 @!p0 s3, s7;
	s7 =	simm.s32 @!p0 $0x108  }
0x21: {  	s3 =	sadd.s32 s3, s9;
	s6 =	sadd.s32 @!p0 $0x88, s6;
	s7 =	simm.s32 @p2 $0x1082  }
0x22: {  	[simem:s7], [sflag:s8] =	dma.local @!p0 [hbm:s6], $0xF7A  }
0x23: {  	s9 =	sor.u32 $0xD0000000, s2;
	s6 =	simm.s32 $0x108;
	_ =	swait.ge @!p0 [sflag:s8], $0x0  }
0x24: {  	s3 =	sadd.s32 $0x88, s3;
	s6 =	simm.s32 @!p1 $0x1082;
	[sflag:s4] =	ssyncset.s32 $0xFFFFF086  }
0x25: {  	[simem:s6], [sflag:s4] =	dma.local [hbm:s3], $0xF7A  }
0x26: {  	[smem:$0x3F9E] =	sst s1;
	(tag) =	ssettag s2;
	_ =	strace s9  }
0x27: {  	s1 =	sld [smem:$0x3FAE]  }
0x28: {  	s2 =	sld [smem:$0x3FAF]  }
0x29: {  	s4 =	sld [smem:$0x3FB1]  }
0x2a: {  	p0 =	seq.s32 s5, $0x0;
	s5 =	sld [smem:$0x3FB2]  }
0x2b: {  	s6 =	sld [smem:$0x3FB3]  }
0x2c: {  	s7 =	sld [smem:$0x3FB4]  }
0x2d: {  	s3 =	simm.s32 $0x108;
	s8 =	sld [smem:$0x3FB5]  }
0x2e: {  	s3 =	simm.s32 @!p0 $0x1082;
	s9 =	sld [smem:$0x3FB6]  }
0x2f: {  	lr =	sadd.s32 s0, s3;
	s0 =	sld [smem:$0x3FAD]  }
0x30: {  	s3 =	sld [smem:$0x3FB0]  }
0x31: {  	[smem:$0x3FB9] =	sst s10  }
0x32: {  	s10 =	sld [smem:$0x3FB7];
	_ =	sdelay $0x3  }
0x33: {  	p0 =	seq.s32 s10, $0x1;
	s10 =	sld [smem:$0x3FB9];
	_ =	sdelay $0x3  }
0x34: {  	[smem:$0x3FB9] =	sst s10  }
0x35: {  	s10 =	sld [smem:$0x3FB8];
	_ =	sdelay $0x3  }
0x36: {  	p1 =	seq.s32 s10, $0x1;
	s10 =	sld [smem:$0x3FB9];
	_ =	sdelay $0x3  }
0x37: {  	[smem:$0x3FB9] =	sst s10  }
0x38: {  	s10 =	sld [smem:$0x3FBA]  }
0x39: {  	_ = 	snop;
	(pc) =	sbr.ind lr, $3  }
0x3a: {  	_ = 	snop  }
0x3b: {  	_ = 	snop  }
0x3c: {  	p2 =	seq.s32 s10, $0x1;
	s10 =	sld [smem:$0x3FB9]  }
0x3d: {  	_ =	shalt  }
0x3e: {  	_ =	shalt  }
0x3f: {  	_ =	shalt  }
0x40: {  	_ =	shalt  }
0x41: {  	_ =	shalt  }
0x42: {  	_ =	shalt  }
0x43: {  	_ =	shalt  }
0x44: {  	_ =	shalt  }
0x45: {  	_ =	shalt  }
0x46: {  	_ =	shalt  }
0x47: {  	_ =	shalt  }
0x48: {  	_ =	shalt  }
0x49: {  	_ =	shalt  }
0x4a: {  	_ =	shalt  }
0x4b: {  	_ =	shalt  }
0x4c: {  	_ =	shalt  }
0x4d: {  	_ =	shalt  }
0x4e: {  	_ =	shalt  }
0x4f: {  	_ =	shalt  }
0x50: {  	_ =	shalt  }
0x51: {  	_ =	shalt  }
0x52: {  	_ =	shalt  }
0x53: {  	_ =	shalt  }
0x54: {  	_ =	shalt  }
0x55: {  	_ =	shalt  }
0x56: {  	_ =	shalt  }
0x57: {  	_ =	shalt  }
0x58: {  	_ =	shalt  }
0x59: {  	_ =	shalt  }
0x5a: {  	_ =	shalt  }
0x5b: {  	_ =	shalt  }
0x5c: {  	_ =	shalt  }
0x5d: {  	_ =	shalt  }
0x5e: {  	_ =	shalt  }
0x5f: {  	_ =	shalt  }
0x60: {  	_ =	shalt  }
0x61: {  	_ =	shalt  }
0x62: {  	_ =	shalt  }
0x63: {  	_ =	shalt  }
0x64: {  	_ =	shalt  }
0x65: {  	_ =	shalt  }
0x66: {  	_ =	shalt  }
0x67: {  	_ =	shalt  }
0x68: {  	_ =	shalt  }
0x69: {  	_ =	shalt  }
0x6a: {  	_ =	shalt  }
0x6b: {  	_ =	shalt  }
0x6c: {  	_ =	shalt  }
0x6d: {  	_ =	shalt  }
0x6e: {  	_ =	shalt  }
0x6f: {  	_ =	shalt  }
0x70: {  	_ =	shalt  }
0x71: {  	_ =	shalt  }
0x72: {  	_ =	shalt  }
0x73: {  	_ =	shalt  }
0x74: {  	_ =	shalt  }
0x75: {  	_ =	shalt  }
0x76: {  	_ =	shalt  }
0x77: {  	_ =	shalt  }
0x78: {  	_ =	shalt  }
0x79: {  	_ =	shalt  }
0x7a: {  	_ =	shalt  }
0x7b: {  	_ =	shalt  }
0x7c: {  	_ =	shalt  }
0x7d: {  	_ =	shalt  }
0x7e: {  	_ =	shalt  }
0x7f: {  	_ =	shalt  }
0x80: {  	_ =	shalt  }
0x81: {  	_ =	shalt  }
0x82: {  	_ =	shalt  }
0x83: {  	_ =	shalt  }
0x84: {  	_ =	shalt  }
0x85: {  	_ =	shalt  }
0x86: {  	_ =	shalt  }
0x87: {  	_ =	shalt  }
.Lfunc_end0:
.L_simem_size_0:
called_computation_lowered:
.L_overlay_start_0:
0x88: {  	s2 =	sld [smem:$0x3FD9]  }
0x89: {  	s3 =	sld [smem:$0x3FFE];
	_ =	sdelay $0x1  }
0x8a: {  	s1 =	srdreg.scid  }
0x8b: {  	s0 =	sand.u32 $0x1, s1  }
0x8c: {  	s17 =	sshll.u32 s0, $0xA;
	s2 =	sadd.s32 s3, s2  }
0x8d: {  	s2 =	sadd.s32 s2, s17  }
0x8e: {  	[smem:$0x3FC5] =	sst s2  }
0x8f: {  	_ = 	snop  }
0x90: {  	s2 =	sld [smem:$0x3FC7];
	(tm) =	ssettm $0x1  }
0x91: {  	s18 =	sld [smem:$0x3FFB];
	_ =	sdelay $0x3  }
0x92: {  	_ =	strace s18  }
0x93: {  	s3 =	sld [smem:$0x3FFC];
	_ =	sdelay $0x3  }
0x94: {  	_ =	strace s3  }
0x95: {  	s3 =	sld [smem:$0x3FFD];
	_ =	sdelay $0x3  }
0x96: {  	_ =	strace s3  }
0x97: {  	_ =	strace $0x8FFFFFFF  }
0x98: {  	s19 =	sld [smem:$0x3FDB];
	_ =	sdelay $0x1  }
0x99: {  	s4 =	simm.s32 $_scs_section_size  }
0x9a: {  	s5 =	simm.s32 $_size__tile_overlayer_lowered;
	s6 =	simm.s32 $_tile_overlayer_lowered  }
0x9b: {  	s22 =	simm.s32 $0x1BFF;
	s21 =	sshll.u32 s6, $0x1;
	s3 =	sadd.s32 s4, s19  }
0x9c: {  	s7 =	simm.s32 $0x0;
	s20 =	sshll.u32 s5, $0x1;
	s5 =	sadd.s32 s21, s3  }
0x9d: {  	[timem:s7], [sflag:s22] =	dma.local [hbm:s5], s20  }
0x9e: {  	_ =	swait.ge [sflag:s22], s20  }
0x9f: {  	s4 =	ssub.s32 $0x0, s20;
	[sflag:s22] =	ssyncset.done $0x0  }
0xa0: {  	[sflag:s22] =	ssyncadd.s32 s4;
	_ =	sdelay $0x1  }
0xa1: {  	s23 =	simm.s32 $0x1B8B  }
0xa2: {  	_ =	swait.ge [sflag:s23], $0x1  }
0xa3: {  	[sflag:s23] =	ssyncset.done $0x0  }
0xa4: {  	s25 =	simm.s32 $0x1B8E;
	s24 =	sld [smem:$0x3FFE];
	[sflag:s23] =	ssyncadd.s32 $0xFFFFFFFF  }
0xa5: {  	s26 =	simm.s32 $execute0_lowered;
	[smem:$0x3FD2] =	sst s25  }
0xa6: {  	s5 =	sshll.u32 s26, $0x1;
	_ =	strace $0x80000046;
	[dreg:$0x1] =	wrdreg $0xFFFFFFFF  }
0xa7: {  	s28 =	simm.s32 $_size_execute0_lowered;
	s3 =	sadd.s32 s3, s5;
	[dreg:$0x0] =	wrdreg $0x0  }
0xa8: {  	s5 =	sshll.u32 s28, $0x1;
	[dreg:$0x2] =	wrdreg s3  }
0xa9: {  	[dreg:$0x3] =	wrdreg s5  }
0xaa: {  	[dreg:$0x4] =	wrdreg $0xC0  }
0xab: {  	_ =	task [dreg:s7], $0x5FFFF  }
0xac: {  	[dreg:$0x1] =	wrdreg $0xFFFFFFFF  }
0xad: {  	[dreg:$0x0] =	wrdreg $0x60  }
0xae: {  	[dreg:$0x2] =	wrdreg s24  }
0xaf: {  	[dreg:$0x3] =	wrdreg s2  }
0xb0: {  	[dreg:$0x4] =	wrdreg $0x9  }
0xb1: {  	_ =	task.clear_ibuf [dreg:s7], $0x5FFFF;
	_ =	strace $0x90000046  }
0xb2: {  	s29 =	simm.s32 $0x9;
	_ =	strace $0x80000048  }
0xb3: {  	_ =	swait.ge [sflag:s29], $0x1  }
0xb4: {  	[sflag:s29] =	ssyncadd.s32 $0xFFFFFFFF  }
0xb5: {  	_ =	strace $0x90000048  }
0xb6: {  	_ =	sfence  }
0xb7: {  	s30 =	sld [smem:$0x0];
	_ =	sdelay $0x2  }
0xb8: {  	s31 =	sshll.u32 s1, $0xD;
	s1 =	sshrl.u32 s1, $0x2  }
0xb9: {  	s3 =	sand.u32 $0x4000, s31;
	s1 =	sadd.s32 s1, s30  }
0xba: {  	s0 =	sor.u32 s3, s0;
	s1 =	sshll.u32 s1, $0x11  }
0xbb: {  	s0 =	sor.u32 s1, s0  }
0xbc: {  	s0 =	sadd.s32 $0x8F2B, s0  }
0xbd: {  	[sflag:s0] =	ssyncadd.remote.s32 $0x1  }
0xbe: {  	_ =	sfence.sel $0xFFFF  }
0xbf: {  	[dreg:$0x0] =	wrdreg $0xFFFFFFFF;
	(pc) =	sbr.abs _section_cstart, $3  }
0xc0: {  	[dreg:$0x1] =	wrdreg $0xFFFFFFFF  }
0xc1: {  	_ =	task.clear_ibuf [dreg:s7], $0x2FFFF;
	_ =	strace $0x9FFFFFFF  }
0xc2: {  	(tm) =	ssettm $0x7FFFFFFF  }
0xc3: {  	_ =	shalt  }
tec
execute0_lowered:
.L_overlay_start_1:
0x0: {  	(tag) =	ssettag $0x1  }
0x1: {  	s3 =	rddreg [dreg:$0x0]  }
0x2: {  	s24 =	rddreg [dreg:$0x1]  }
0x3: {  	s0 =	rddreg [dreg:$0x2];
	s4 =	srdreg.scid  }
0x4: {  	s2 =	simm.s32 $0x0;
	s1 =	stileid.u32;
	s15 =	simm.s32 $0x5  }
0x5: {  	s25 =	sand.u32 $0x1, s4;
	[smem:$0x7FF] =	sst s2;
	s9 =	sshll.u32 s1, $0x13  }
0x6: {  	s10 =	sadd.s32 $0x800400, s3;
	s11 =	sadd.s32 $0x400, s3;
	s18 =	sshll.u32 s1, $0x6  }
0x7: {  	s28 =	sshll.u32 s1, $0xB;
	s4 =	sshll.u32 s25, $0x19;
	_ =	strace $0x80000047  }
0x8: {  	s5 =	sshll.u32 s25, $0x2;
	s26 =	sshllo.u32 s25, $0x2;
	s14 =	sshll.u32 s25, $0x9  }
0x9: {  	s16 =	sor.u32 $0x1C02, s18;
	s17 =	sor.u32 $0x1C03, s18;
	s4 =	sor.u32 s9, s4  }
0xa: {  	s20 =	sor.u32 $0x1, s5;
	s22 =	sor.u32 $0x2, s5;
	s5 =	sor.u32 $0x1C01, s18  }
0xb: {  	s13 =	sshll.u32 s26, $0x17;
	s14 =	sor.u32 s14, s28;
	s18 =	sor.u32 $0x1C04, s18  }
0xc: {  	s4 =	sshrl.u32 s4, $0x3;
	s6 =	sshll.u32 s20, $0x17;
	s8 =	sshll.u32 s22, $0x17  }
0xd: {  	s13 =	sor.u32 s9, s13;
	s30 =	sshrl.u32 s14, $0x3;
	s14 =	simm.s32 $0x400  }
0xe: {  	s3 =	sadd.s32 s10, s4;
	s4 =	sadd.s32 s11, s4;
	s6 =	sor.u32 s9, s6  }
0xf: {  	s8 =	sor.u32 s9, s8;
	s29 =	sshrl.u32 s13, $0x3;
	s7 =	sshrl.u32 s6, $0x3  }
0x10: {  	[hbm:s3], [sflag:s5] =	dma.local [hbm:s4], $0x10000  }
0x11: {  	s13 =	simm.s32 $0x80;
	s12 =	sshrl.u32 s8, $0x3;
	s6 =	sadd.s32 s10, s7  }
0x12: {  	s7 =	sadd.s32 s11, s7;
	s8 =	sadd.s32 s10, s12;
	s9 =	sadd.s32 s11, s12  }
0x13: {  	s10 =	sadd.s32 s10, s29;
	s11 =	sadd.s32 s11, s29;
	s12 =	sadd.s32 s24, s30  }
0x14: {  	[hbm:s6], [sflag:s16] =	dma.local [hbm:s7], $0x10000  }
0x15: {  	[hbm:s8], [sflag:s17] =	dma.local [hbm:s9], $0x10000  }
0x16: {  	[hbm:s10], [sflag:s18] =	dma.local [hbm:s11], $0x10000  }
0x17: {  	[tilespmem:s2], [sflag:$0x5] =	stream.strided.gather [hbm4b:s12+s13], $0x100, s14, s13, $0x38;
	[tilespmem:$0x100] =	vst v63  }
0x18: {  	_ =	swait.ge [sflag:s15], $0x100  }
0x19: {  	[sflag:s15] =	ssyncset.done $0x0  }
0x1a: {  	s19 =	simm.s32 $0x1;
	[sflag:s15] =	ssyncadd.s32 $0xFFFFFF00  }
0x1b: {  	s20 =	sshll.u32 s20, $0x7;
	_ =	swait.ge [sflag:s19], $0x10000  }
0x1c: {  	s20 =	sor.u32 s28, s20;
	[sflag:s19] =	ssyncset.done $0x0  }
0x1d: {  	s20 =	sshrl.u32 s20, $0x3;
	[sflag:s19] =	ssyncadd.s32 $0xFFFF0000  }
0x1e: {  	s20 =	sadd.s32 s24, s20;
	[bflag:$0x0] =	sbarrier.arrive $0xFFFF  }
0x1f: {  	[tilespmem:s2], [sflag:$0x5] =	stream.strided.gather [hbm4b:s20+s13], $0x100, s14, s13, $0x38;
	[tilespmem:$0x100] =	vst v63  }
0x20: {  	_ =	swait.ge [sflag:s15], $0x100  }
0x21: {  	[sflag:s15] =	ssyncset.done $0x0  }
0x22: {  	s21 =	simm.s32 $0x2;
	[sflag:s15] =	ssyncadd.s32 $0xFFFFFF00  }
0x23: {  	s22 =	sshll.u32 s22, $0x7;
	_ =	swait.ge [sflag:s21], $0x10000  }
0x24: {  	s22 =	sor.u32 s28, s22;
	[sflag:s21] =	ssyncset.done $0x0  }
0x25: {  	s22 =	sshrl.u32 s22, $0x3;
	[sflag:s21] =	ssyncadd.s32 $0xFFFF0000  }
0x26: {  	s22 =	sadd.s32 s24, s22;
	[bflag:$0x0] =	sbarrier.arrive $0xFFFF  }
0x27: {  	[tilespmem:s2], [sflag:$0x5] =	stream.strided.gather [hbm4b:s22+s13], $0x100, s14, s13, $0x38;
	[tilespmem:$0x100] =	vst v63  }
0x28: {  	_ =	swait.ge [sflag:s15], $0x100  }
0x29: {  	s23 =	simm.s32 $0x3;
	[sflag:s15] =	ssyncset.done $0x0  }
0x2a: {  	s25 =	ssub.s32 $0x2, s25;
	s26 =	sshll.u32 s26, $0x7;
	[sflag:s15] =	ssyncadd.s32 $0xFFFFFF00  }
0x2b: {  	s31 =	sshrl.u32 s25, $0x1;
	s26 =	sor.u32 s28, s26;
	_ =	swait.ge [sflag:s23], $0x10000  }
0x2c: {  	s25 =	ssub.s32 s25, s31;
	s26 =	sshrl.u32 s26, $0x3;
	[sflag:s23] =	ssyncset.done $0x0  }
0x2d: {  	s24 =	sadd.s32 s24, s26;
	s26 =	smax.u32 s25, $0x1;
	[sflag:s23] =	ssyncadd.s32 $0xFFFF0000  }
0x2e: {  	p0 =	sne.s32 s26, $0x1;
	[bflag:$0x0] =	sbarrier.arrive $0xFFFF  }
0x2f: {  	[tilespmem:s2], [sflag:$0x5] =	stream.strided.gather [hbm4b:s24+s13], $0x100, s14, s13, $0x38;
	[tilespmem:$0x100] =	vst v63  }
.Ltmp0:
0x30: {  	_ =	swait.ge [sflag:s15], $0x100;
	(pc) =	sbr.rel @!p0 .LBB2_2-.Ltmp0, $4  }
0x31: {  	[sflag:s15] =	ssyncset.done $0x0  }
0x32: {  	s25 =	simm.s32 $0x4;
	[sflag:s15] =	ssyncadd.s32 $0xFFFFFF00  }
0x33: {  	_ =	swait.ge [sflag:s25], $0x10000  }
0x34: {  	s26 =	sadd.s32 $0xFFFFFFFF, s26;
	[sflag:s25] =	ssyncset.done $0x0  }
.LBB2_1:
0x35: {  	[sflag:s25] =	ssyncadd.s32 $0xFFFF0000  }
0x36: {  	p0 =	sne.s32 s26, $0x1;
	[bflag:$0x0] =	sbarrier.arrive $0xFFFF  }
0x37: {  	[hbm:s3], [sflag:s5] =	dma.local [hbm:s4], $0x10000  }
0x38: {  	[hbm:s6], [sflag:s16] =	dma.local [hbm:s7], $0x10000  }
0x39: {  	[hbm:s8], [sflag:s17] =	dma.local [hbm:s9], $0x10000  }
0x3a: {  	[hbm:s10], [sflag:s18] =	dma.local [hbm:s11], $0x10000  }
0x3b: {  	[tilespmem:s2], [sflag:$0x5] =	stream.strided.gather [hbm4b:s12+s13], $0x100, s14, s13, $0x38;
	[tilespmem:$0x100] =	vst v63  }
0x3c: {  	s26 =	sadd.s32 $0xFFFFFFFF, s26;
	_ =	swait.ge [sflag:s15], $0x100  }
0x3d: {  	[sflag:s15] =	ssyncset.done $0x0  }
0x3e: {  	[sflag:s15] =	ssyncadd.s32 $0xFFFFFF00  }
0x3f: {  	_ =	swait.ge [sflag:s19], $0x10000  }
0x40: {  	[sflag:s19] =	ssyncset.done $0x0  }
0x41: {  	[sflag:s19] =	ssyncadd.s32 $0xFFFF0000  }
0x42: {  	[bflag:$0x0] =	sbarrier.arrive $0xFFFF  }
0x43: {  	[tilespmem:s2], [sflag:$0x5] =	stream.strided.gather [hbm4b:s20+s13], $0x100, s14, s13, $0x38;
	[tilespmem:$0x100] =	vst v63  }
0x44: {  	_ =	swait.ge [sflag:s15], $0x100  }
0x45: {  	[sflag:s15] =	ssyncset.done $0x0  }
0x46: {  	[sflag:s15] =	ssyncadd.s32 $0xFFFFFF00  }
0x47: {  	_ =	swait.ge [sflag:s21], $0x10000  }
0x48: {  	[sflag:s21] =	ssyncset.done $0x0  }
0x49: {  	[sflag:s21] =	ssyncadd.s32 $0xFFFF0000  }
0x4a: {  	[bflag:$0x0] =	sbarrier.arrive $0xFFFF  }
0x4b: {  	[tilespmem:s2], [sflag:$0x5] =	stream.strided.gather [hbm4b:s22+s13], $0x100, s14, s13, $0x38;
	[tilespmem:$0x100] =	vst v63  }
0x4c: {  	_ =	swait.ge [sflag:s15], $0x100  }
0x4d: {  	[sflag:s15] =	ssyncset.done $0x0  }
0x4e: {  	[sflag:s15] =	ssyncadd.s32 $0xFFFFFF00  }
0x4f: {  	_ =	swait.ge [sflag:s23], $0x10000  }
0x50: {  	[sflag:s23] =	ssyncset.done $0x0  }
0x51: {  	[sflag:s23] =	ssyncadd.s32 $0xFFFF0000  }
0x52: {  	[bflag:$0x0] =	sbarrier.arrive $0xFFFF  }
0x53: {  	[tilespmem:s2], [sflag:$0x5] =	stream.strided.gather [hbm4b:s24+s13], $0x100, s14, s13, $0x38;
	[tilespmem:$0x100] =	vst v63  }
.Ltmp1:
0x54: {  	_ =	swait.ge [sflag:s15], $0x100;
	(pc) =	sbr.rel @p0 .LBB2_1-.Ltmp1, $4  }
0x55: {  	[sflag:s15] =	ssyncset.done $0x0  }
0x56: {  	[sflag:s15] =	ssyncadd.s32 $0xFFFFFF00  }
0x57: {  	_ =	swait.ge [sflag:s25], $0x10000  }
0x58: {  	[sflag:s25] =	ssyncset.done $0x0  }
.LBB2_2:
0x59: {  	[sflag:s25] =	ssyncadd.s32 $0xFFFF0000  }
0x5a: {  	[bflag:$0x0] =	sbarrier.arrive $0xFFFF  }
0x5b: {  	_ =	sfence.sel $0x180000  }
0x5c: {  	[bflag:$0x0] =	sbarrier.arrive $0xFFFF  }
0x5d: {  	p0 =	sne.s32 s1, $0x0;
	_ =	strace $0x90000047  }
0x5e: {  	s0 =	sadd.s32 @!p0 $0x100000, s0;
	[bflag:$0x2] =	sbarrier.arrive $0xFFFF  }
0x5f: {  	[sflag:s0] =	ssyncadd.tile.s32 @!p0 $0x1;
	_ =	shalt  }
.Lfunc_end2:
_tile_overlayer_lowered:
.L_overlay_start_2:
0x60: {  	(tag) =	ssettag $0x2  }
0x61: {  	s0 =	rddreg [dreg:$0x0];
	s2 =	stileid.u32  }
0x62: {  	s1 =	rddreg [dreg:$0x1];
	p0 =	sne.s32 s2, $0x0  }
0x63: {  	s3 =	rddreg [dreg:$0x2];
	[bflag:$0x3] =	sbarrier.arrive $0xFFFF;
	s2 =	simm.s32 @!p0 $0x1C05  }
0x64: {  	[timem:s3], [sflag:s2] =	dma.local @!p0 [hbm:s0], s1  }
0x65: {  	s0 =	simm.s32 @!p0 $0x5  }
0x66: {  	_ =	swait.ge @!p0 [sflag:s0], s1  }
0x67: {  	s1 =	ssub.s32 @!p0 $0x0, s1;
	[sflag:s0] =	ssyncset.done @!p0 $0x0  }
0x68: {  	[sflag:s0] =	ssyncadd.s32 @!p0 s1  }
0x69: {  	[bflag:$0x3] =	sbarrier.arrive $0xFFFF  }
0x6a: {  	_ =	shalt  }

</sc_bundles>
